<compile_context>
chip_gen: v7x
topology: tpu7x:2x2x1
jax: 0.10.2.dev20260603
libtpu: 0.0.44.dev20260713+nightly
codegen_flags: <defaults>
</compile_context>

<pallas_src>
import functools

import jax
import jax.numpy as jnp
from jax import lax
from jax.experimental import pallas as pl
from jax.experimental.pallas import tpu as pltpu
from jax.experimental.pallas import tpu_sc as plsc

B, K, NS, NT = 4, 20, 4096, 4096
TT = 4096
NT_TILES = NT // TT
NSC = 512

NUM_CORES = 1
NUM_SUBCORES = 16
NW = NUM_CORES * NUM_SUBCORES
PER_W = (B * NT) // NW
LANES = 16


def _tc_body(sem_ref, sp_ref, tp_ref, feat_ref, idx_ref):
    b = pl.program_id(0)
    t = pl.program_id(1)
    sp = sp_ref[0]
    tp = tp_ref[0]
    sn = jnp.sum(sp * sp, axis=0, keepdims=True)
    dot = lax.dot_general(tp, sp * -2.0, (((0,), (0,)), ((), ())),
                          preferred_element_type=jnp.float32)
    score = dot + sn
    idx_ref[0, :, 0] = jnp.argmin(score, axis=-1)

    @pl.when(t == 0)
    def _():
        feat_ref[0, 0, :] = jnp.max(sem_ref[0], axis=0)


_tc_stage = pl.pallas_call(
    _tc_body,
    grid=(B, NT_TILES),
    in_specs=[
        pl.BlockSpec((1, K, NS), lambda b, t: (b, 0, 0)),
        pl.BlockSpec((1, 3, NS), lambda b, t: (b, 0, 0)),
        pl.BlockSpec((1, 3, TT), lambda b, t: (b, 0, t)),
    ],
    out_specs=[
        pl.BlockSpec((1, 1, NS), lambda b, t: (b, 0, 0)),
        pl.BlockSpec((1, TT, 1), lambda b, t: (b, t, 0)),
    ],
    out_shape=[
        jax.ShapeDtypeStruct((B, 1, NS), jnp.float32),
        jax.ShapeDtypeStruct((B, NT, 1), jnp.int32),
    ],
    compiler_params=pltpu.CompilerParams(
        dimension_semantics=("parallel", "parallel"),
        fuse_transposed_lhs_in_matmul=True,
    ),
)


WPB = NW // B


def _sc_body(feat_hbm, idx_hbm, out_hbm, table_v, idx_v, out_v, sem_t, sem_i):
    wid = lax.axis_index("s") * NUM_CORES + lax.axis_index("c")
    base = wid * PER_W
    bb = wid // WPB
    ct = pltpu.async_copy(feat_hbm.at[pl.ds(bb * (NS // 128), NS // 128), :],
                          table_v, sem_t)
    ci = pltpu.async_copy(idx_hbm.at[pl.ds(base, PER_W)], idx_v, sem_i)
    ct.wait()
    ci.wait()
    def _step(i, carry):
        ids = idx_v[pl.ds(i * LANES, LANES)]
        vals = plsc.load_gather(table_v, [ids >> 7, ids & 127])
        out_v[pl.ds(i * LANES, LANES)] = 1.0 / (1.0 + jnp.exp(-vals))
        return carry

    lax.fori_loop(0, PER_W // LANES, _step, 0)
    pltpu.sync_copy(out_v, out_hbm.at[pl.ds(base, PER_W)])


@functools.cache
def _sc_stage():
    return functools.partial(
        pl.kernel,
        mesh=plsc.VectorSubcoreMesh(core_axis_name="c", subcore_axis_name="s", num_cores=1),
        out_type=jax.ShapeDtypeStruct((B * NT,), jnp.float32),
        scratch_types=[
            pltpu.VMEM((NS // 128, 128), jnp.float32),
            pltpu.VMEM((PER_W,), jnp.int32),
            pltpu.VMEM((PER_W,), jnp.float32),
            pltpu.SemaphoreType.DMA,
            pltpu.SemaphoreType.DMA,
        ],
        compiler_params=pltpu.CompilerParams(needs_layout_passes=False),
    )(_sc_body)


def kernel(sem_logits, source_pos, target_pos):
    feat, idx = _tc_stage(sem_logits, source_pos, target_pos)
    gate = _sc_stage()(feat.reshape(B * NS // 128, 128), idx.reshape(B * NT))
    return gate.reshape(B, NT, 1)

# --- scband reference (transcript-rebuilt; emitter-appended) ---
"""Pipeline reference for scband-semantic-guided-gate-5471788335642 (READ-ONLY COPY).

The authoritative reference and input builder live on the scoring server;
editing this copy changes nothing except your own understanding.
"""

import jax, jax.numpy as jnp
import numpy as np


def setup_inputs(seed: int = 0) -> dict:
    key = jax.random.key(seed)
    k1, k2, k3 = jax.random.split(key, 3)
    B, K, Ns, Nt = 4, 20, 4096, 4096
    sem_logits = jax.random.normal(k1, (B, K, Ns), dtype=jnp.float32)
    source_pos = jax.random.normal(k2, (B, 3, Ns), dtype=jnp.float32)
    target_pos = jax.random.normal(k3, (B, 3, Nt), dtype=jnp.float32)
    return {"sem_logits": sem_logits, "source_pos": source_pos, "target_pos": target_pos}


def reference(sem_logits, source_pos, target_pos):
    temperature = 1.0
    # x = sem_logits / max(1e-6, temperature)
    x = sem_logits / max(1e-06, temperature)
    # use_max_class=True path: per-point max over class dim -> [B, 1, Ns]
    src_feat = jnp.max(x, axis=1, keepdims=True)
    # nearest_interpolate: pairwise distances between target and source points
    tp = jnp.transpose(target_pos, (0, 2, 1))  # [B, Nt, 3]
    sp = jnp.transpose(source_pos, (0, 2, 1))  # [B, Ns, 3]
    # squared euclidean distances; argmin identical to torch.cdist(p=2).topk(1, largest=False)
    d2 = (jnp.sum(tp * tp, axis=-1, keepdims=True)
          + jnp.sum(sp * sp, axis=-1)[:, None, :]
          - 2.0 * jnp.einsum('bnd,bmd->bnm', tp, sp))  # [B, Nt, Ns]
    nn_idx = jnp.argmin(jax.lax.stop_gradient(d2), axis=-1)  # [B, Nt]
    B = target_pos.shape[0]
    batch_idx = jnp.arange(B)[:, None]  # [B, 1] broadcasts against nn_idx [B, Nt]
    # numpy/torch advanced-indexing semantics: src_feat[batch_idx, :, nn_idx] -> [B, Nt, C]
    out = src_feat[batch_idx, :, nn_idx]  # [B, Nt, 1]
    gate = jax.nn.sigmoid(out)
    return gate

if __name__ == "__main__":
    import jax
    _d = setup_inputs()
    print(jax.jit(kernel)(*tuple(_d.values())))

</pallas_src>

<mosaic_0001>
#map = affine_map<(d0, d1) -> (0, 0)>
#map1 = affine_map<(d0, d1) -> (0)>
module attributes {stable_mosaic.version = 14 : i64} {
  func.func @_sc_body(%arg0: i32, %arg1: i32, %arg2: memref<128x128xf32, #tpu.memory_space<hbm>>, %arg3: memref<16384xi32, #tpu.memory_space<hbm>>, %arg4: memref<16384xf32, #tpu.memory_space<hbm>>, %arg5: memref<32x128xf32, #tpu.memory_space<vmem>>, %arg6: memref<1024xi32, #tpu.memory_space<vmem>>, %arg7: memref<1024xf32, #tpu.memory_space<vmem>>, %arg8: memref<!tpu.dma_semaphore, #tpu.memory_space<semaphore_mem>>, %arg9: memref<!tpu.dma_semaphore, #tpu.memory_space<semaphore_mem>>) attributes {dimension_semantics = [#tpu.dimension_semantics<core_parallel>, #tpu.dimension_semantics<subcore_parallel>], iteration_bounds = array<i64: 1, 16>, scalar_prefetch = 0 : i64, scratch_operands = 5 : i64, tpu.core_type = #tpu.core_type<sc_vector_subcore>, window_params = [{transform_indices = #map}, {transform_indices = #map1}, {transform_indices = #map1}]} {
    %mul3A = arith.constant 1 : i32
    %mul3A_0 = arith.muli %arg1, %mul3A : i32
    %add3A = arith.addi %mul3A_0, %arg0 : i32
    %mul3A_1 = arith.constant 1024 : i32
    %mul3A_2 = arith.muli %add3A, %mul3A_1 : i32
    %jit3A = arith.constant 4 : i32
    %div3A = arith.divsi %add3A, %jit3A : i32
    %sign3A = arith.constant 0 : i32
    %sign3A_3 = arith.cmpi sgt, %add3A, %sign3A : i32
    %sign3A_4 = arith.extui %sign3A_3 : i1 to i32
    %sign3A_5 = arith.constant 0 : i32
    %sign3A_6 = arith.cmpi slt, %add3A, %sign3A_5 : i32
    %sign3A_7 = arith.extui %sign3A_6 : i1 to i32
    %sign3A_8 = arith.subi %sign3A_4, %sign3A_7 : i32
    %sign3A_9 = arith.constant 0 : i32
    %sign3A_10 = arith.cmpi sgt, %jit3A, %sign3A_9 : i32
    %sign3A_11 = arith.extui %sign3A_10 : i1 to i32
    %sign3A_12 = arith.constant 0 : i32
    %sign3A_13 = arith.cmpi slt, %jit3A, %sign3A_12 : i32
    %sign3A_14 = arith.extui %sign3A_13 : i1 to i32
    %sign3A_15 = arith.subi %sign3A_11, %sign3A_14 : i32
    %ne3A = arith.cmpi ne, %sign3A_8, %sign3A_15 : i32
    %rem3A = arith.remsi %add3A, %jit3A : i32
    %ne3A_16 = arith.constant 0 : i32
    %ne3A_17 = arith.cmpi ne, %rem3A, %ne3A_16 : i32
    %and3A = arith.andi %ne3A, %ne3A_17 : i1
    %sub3A = arith.constant 1 : i32
    %sub3A_18 = arith.subi %div3A, %sub3A : i32
    %select_n3A = arith.select %and3A, %sub3A_18, %div3A : i32
    %mul3A_19 = arith.constant 32 : i32
    %mul3A_20 = arith.muli %select_n3A, %mul3A_19 : i32
    %dma_start3A = arith.constant 0 : i32
    %dma_start3A_21 = tpu.memref_slice %arg2[%mul3A_20, %dma_start3A] : memref<128x128xf32, #tpu.memory_space<hbm>> -> memref<32x128xf32, #tpu.memory_space<hbm>>
    %dma_start3A_22 = arith.constant 0 : i32
    %dma_start3A_23 = tpu.memref_slice %arg2[%mul3A_20, %dma_start3A_22] : memref<128x128xf32, #tpu.memory_space<hbm>> -> memref<32x128xf32, #tpu.memory_space<hbm>>
    tpu.enqueue_dma source(%dma_start3A_23 : memref<32x128xf32, #tpu.memory_space<hbm>>) target(%arg5 : memref<32x128xf32, #tpu.memory_space<vmem>>) target_semaphore(%arg8 : memref<!tpu.dma_semaphore, #tpu.memory_space<semaphore_mem>>)
    %dma_start3A_24 = tpu.memref_slice %arg3[%mul3A_2] : memref<16384xi32, #tpu.memory_space<hbm>> -> memref<1024xi32, #tpu.memory_space<hbm>>
    %dma_start3A_25 = tpu.memref_slice %arg3[%mul3A_2] : memref<16384xi32, #tpu.memory_space<hbm>> -> memref<1024xi32, #tpu.memory_space<hbm>>
    tpu.enqueue_dma source(%dma_start3A_25 : memref<1024xi32, #tpu.memory_space<hbm>>) target(%arg6 : memref<1024xi32, #tpu.memory_space<vmem>>) target_semaphore(%arg9 : memref<!tpu.dma_semaphore, #tpu.memory_space<semaphore_mem>>)
    %dma_wait3A = arith.constant 0 : i32
    %dma_wait3A_26 = tpu.memref_slice %arg2[%mul3A_20, %dma_wait3A] : memref<128x128xf32, #tpu.memory_space<hbm>> -> memref<32x128xf32, #tpu.memory_space<hbm>>
    %dma_wait3A_27 = arith.constant 0 : i32
    %dma_wait3A_28 = tpu.memref_slice %arg2[%mul3A_20, %dma_wait3A_27] : memref<128x128xf32, #tpu.memory_space<hbm>> -> memref<32x128xf32, #tpu.memory_space<hbm>>
    tpu.wait_dma2 semaphore(%arg8 : memref<!tpu.dma_semaphore, #tpu.memory_space<semaphore_mem>>) src(%dma_wait3A_28 : memref<32x128xf32, #tpu.memory_space<hbm>>) dst(%arg5 : memref<32x128xf32, #tpu.memory_space<vmem>>)
    %dma_wait3A_29 = tpu.memref_slice %arg3[%mul3A_2] : memref<16384xi32, #tpu.memory_space<hbm>> -> memref<1024xi32, #tpu.memory_space<hbm>>
    %dma_wait3A_30 = tpu.memref_slice %arg3[%mul3A_2] : memref<16384xi32, #tpu.memory_space<hbm>> -> memref<1024xi32, #tpu.memory_space<hbm>>
    tpu.wait_dma2 semaphore(%arg9 : memref<!tpu.dma_semaphore, #tpu.memory_space<semaphore_mem>>) src(%dma_wait3A_30 : memref<1024xi32, #tpu.memory_space<hbm>>) dst(%arg6 : memref<1024xi32, #tpu.memory_space<vmem>>)
    %scan3A = arith.constant 0 : i32
    %scan3A_31 = arith.constant 0 : i32
    %scan3A_32 = arith.constant 64 : i32
    %scan3A_33 = arith.addi %scan3A_31, %scan3A_32 : i32
    %scan3A_34 = arith.constant 1 : i32
    scf.for %scan3A_36 = %scan3A_31 to %scan3A_33 step %scan3A_34  : i32 {
      %mul3A_37 = arith.constant 16 : i32
      %mul3A_38 = arith.muli %scan3A_36, %mul3A_37 : i32
      %get3A = arith.index_cast %mul3A_38 : i32 to index
      %get3A_39 = tpu.vector_load %arg6[%get3A] {strides = array<i32>} : memref<1024xi32, #tpu.memory_space<vmem>>, vector<16xi32>,
      %shift_right_arithmetic3A = arith.constant 7 : i32
      %shift_right_arithmetic3A_40 = vector.broadcast %shift_right_arithmetic3A : i32 to vector<16xi32>
      %shift_right_arithmetic3A_41 = arith.shrsi %get3A_39, %shift_right_arithmetic3A_40 : vector<16xi32>
      %and3A_42 = arith.constant 127 : i32
      %and3A_43 = vector.broadcast %and3A_42 : i32 to vector<16xi32>
      %and3A_44 = arith.andi %get3A_39, %and3A_43 : vector<16xi32>
      %gather3A = tpu.vector_load_idx %arg5[%shift_right_arithmetic3A_41, %and3A_44] : memref<32x128xf32, #tpu.memory_space<vmem>>[vector<16xi32>, vector<16xi32>], vector<16xf32>,
      %neg3A = arith.constant 0.000000e+00 : f32
      %neg3A_45 = vector.broadcast %neg3A : f32 to vector<16xf32>
      %neg3A_46 = arith.subf %neg3A_45, %gather3A : vector<16xf32>
      %exp3A = math.exp %neg3A_46 : vector<16xf32>
      %add3A_47 = arith.constant 1.000000e+00 : f32
      %add3A_48 = vector.broadcast %add3A_47 : f32 to vector<16xf32>
      %add3A_49 = arith.addf %add3A_48, %exp3A : vector<16xf32>
      %div3A_50 = arith.constant 1.000000e+00 : f32
      %div3A_51 = vector.broadcast %div3A_50 : f32 to vector<16xf32>
      %div3A_52 = arith.divf %div3A_51, %add3A_49 : vector<16xf32>
      %mul3A_53 = arith.constant 16 : i32
      %mul3A_54 = arith.muli %scan3A_36, %mul3A_53 : i32
      %swap3A = arith.index_cast %mul3A_54 : i32 to index
      %swap3A_55 = tpu.vector_load %arg7[%swap3A] {strides = array<i32>} : memref<1024xf32, #tpu.memory_space<vmem>>, vector<16xf32>,
      tpu.vector_store %arg7[%swap3A], %div3A_52 {strides = array<i32>} : memref<1024xf32, #tpu.memory_space<vmem>>, vector<16xf32>,
    }
    %scan3A_35 = arith.constant 64 : i32
    "tpu.region"() ({
      %run_scoped3A = tpu.sem_alloc : memref<!tpu.dma_semaphore, #tpu.memory_space<semaphore_mem>>
      %dma_start3A_36 = tpu.memref_slice %arg4[%mul3A_2] : memref<16384xf32, #tpu.memory_space<hbm>> -> memref<1024xf32, #tpu.memory_space<hbm>>
      %dma_start3A_37 = tpu.memref_slice %arg4[%mul3A_2] : memref<16384xf32, #tpu.memory_space<hbm>> -> memref<1024xf32, #tpu.memory_space<hbm>>
      tpu.enqueue_dma source(%arg7 : memref<1024xf32, #tpu.memory_space<vmem>>) target(%dma_start3A_37 : memref<1024xf32, #tpu.memory_space<hbm>>) target_semaphore(%run_scoped3A : memref<!tpu.dma_semaphore, #tpu.memory_space<semaphore_mem>>)
      %dma_wait3A_38 = tpu.memref_slice %arg4[%mul3A_2] : memref<16384xf32, #tpu.memory_space<hbm>> -> memref<1024xf32, #tpu.memory_space<hbm>>
      %dma_wait3A_39 = tpu.memref_slice %arg4[%mul3A_2] : memref<16384xf32, #tpu.memory_space<hbm>> -> memref<1024xf32, #tpu.memory_space<hbm>>
      tpu.wait_dma2 semaphore(%run_scoped3A : memref<!tpu.dma_semaphore, #tpu.memory_space<semaphore_mem>>) src(%arg7 : memref<1024xf32, #tpu.memory_space<vmem>>) dst(%dma_wait3A_39 : memref<1024xf32, #tpu.memory_space<hbm>>)
      tpu.yield
    }) : () -> ()
    return
  }
}

module attributes {stable_mosaic.version = 14 : i64} {
  func.func @_tc_body(%arg0: i32, %arg1: i32, %arg2: memref<1x20x4096xf32, #tpu.memory_space<vmem>>, %arg3: memref<1x3x4096xf32, #tpu.memory_space<vmem>>, %arg4: memref<1x3x4096xf32, #tpu.memory_space<vmem>>, %arg5: memref<1x1x4096xf32, #tpu.memory_space<vmem>>, %arg6: memref<1x4096x1xi32, #tpu.memory_space<vmem>>) attributes {dimension_semantics = [#tpu.dimension_semantics<parallel>, #tpu.dimension_semantics<parallel>], iteration_bounds = array<i64: 4, 1>, scalar_prefetch = 0 : i64, scratch_operands = 0 : i64, tpu.core_type = #tpu.core_type<tc>, window_params = [{transform_indices = @transform_0, window_bounds = array<i64: 1, 20, 4096>}, {transform_indices = @transform_1, window_bounds = array<i64: 1, 3, 4096>}, {transform_indices = @transform_2, window_bounds = array<i64: 1, 3, 4096>}, {transform_indices = @transform_3, window_bounds = array<i64: 1, 1, 4096>}, {transform_indices = @transform_4, window_bounds = array<i64: 1, 4096, 1>}]} {
    %get3A = arith.constant 0 : index
    %get3A_0 = arith.constant 0 : index
    %get3A_1 = arith.constant 0 : index
    %get3A_2 = vector.load %arg3[%get3A, %get3A_0, %get3A_1] : memref<1x3x4096xf32, #tpu.memory_space<vmem>>, vector<1x3x4096xf32>
    %get3A_3 = vector.shape_cast %get3A_2 : vector<1x3x4096xf32> to vector<3x4096xf32>
    %get3A_4 = arith.constant 0 : index
    %get3A_5 = arith.constant 0 : index
    %get3A_6 = arith.constant 0 : index
    %get3A_7 = vector.load %arg4[%get3A_4, %get3A_5, %get3A_6] : memref<1x3x4096xf32, #tpu.memory_space<vmem>>, vector<1x3x4096xf32>
    %get3A_8 = vector.shape_cast %get3A_7 : vector<1x3x4096xf32> to vector<3x4096xf32>
    %mul3A = arith.mulf %get3A_3, %get3A_3 : vector<3x4096xf32>
    %reduce_sum3A = arith.constant dense<0.000000e+00> : vector<4096xf32>
    %reduce_sum3A_9 = vector.multi_reduction <add>, %mul3A, %reduce_sum3A [0] : vector<3x4096xf32> to vector<4096xf32>
    %broadcast_in_dim3A = vector.shape_cast %reduce_sum3A_9 : vector<4096xf32> to vector<1x4096xf32>
    %mul3A_10 = arith.constant -2.000000e+00 : f32
    %mul3A_11 = vector.broadcast %mul3A_10 : f32 to vector<3x4096xf32>
    %mul3A_12 = arith.mulf %get3A_3, %mul3A_11 : vector<3x4096xf32>
    %dot_general3A = arith.constant dense<0.000000e+00> : vector<4096x4096xf32>
    %dot_general3A_13 = tpu.matmul %get3A_8, %mul3A_12, %dot_general3A {dimension_numbers = #tpu.dot_dimension_numbers<[0], [0], [1], [1], [0, 1, 1, 1], [], []>, transpose_lhs_hint = true} : vector<3x4096xf32>, vector<3x4096xf32>, vector<4096x4096xf32> -> vector<4096x4096xf32>
    %add3A = vector.broadcast %broadcast_in_dim3A : vector<1x4096xf32> to vector<4096x4096xf32>
    %add3A_14 = arith.addf %dot_general3A_13, %add3A : vector<4096x4096xf32>
    %argmin3A = tpu.reduce_index %add3A_14 {axis = 1 : i32, kind = #tpu.reduction_kind<arg_min>} : vector<4096x4096xf32> -> vector<4096xi32>
    %swap3A = arith.constant 0 : index
    %swap3A_15 = arith.constant 0 : index
    %swap3A_16 = arith.constant 0 : index
    %swap3A_17 = vector.load %arg6[%swap3A, %swap3A_15, %swap3A_16] : memref<1x4096x1xi32, #tpu.memory_space<vmem>>, vector<1x4096x1xi32>
    %swap3A_18 = vector.shape_cast %swap3A_17 : vector<1x4096x1xi32> to vector<4096xi32>
    %swap3A_19 = vector.shape_cast %argmin3A : vector<4096xi32> to vector<1x4096x1xi32>
    tpu.vector_store %arg6[%swap3A, %swap3A_15, %swap3A_16], %swap3A_19 {strides = array<i32>} : memref<1x4096x1xi32, #tpu.memory_space<vmem>>, vector<1x4096x1xi32>,
    %eq3A = arith.constant 0 : i32
    %eq3A_20 = arith.cmpi eq, %arg1, %eq3A : i32
    %convert_element_type3A = arith.extui %eq3A_20 : i1 to i32
    %cond3A = arith.constant 0 : i32
    %cond3A_21 = arith.cmpi ne, %convert_element_type3A, %cond3A : i32
    scf.if %cond3A_21 {
      %get3A_22 = arith.constant 0 : index
      %get3A_23 = arith.constant 0 : index
      %get3A_24 = arith.constant 0 : index
      %get3A_25 = vector.load %arg2[%get3A_22, %get3A_23, %get3A_24] : memref<1x20x4096xf32, #tpu.memory_space<vmem>>, vector<1x20x4096xf32>
      %get3A_26 = vector.shape_cast %get3A_25 : vector<1x20x4096xf32> to vector<20x4096xf32>
      %reduce_max3A = arith.constant dense<0xFF800000> : vector<4096xf32>
      %reduce_max3A_27 = vector.multi_reduction <maximumf>, %get3A_26, %reduce_max3A [0] : vector<20x4096xf32> to vector<4096xf32>
      %swap3A_28 = arith.constant 0 : index
      %swap3A_29 = arith.constant 0 : index
      %swap3A_30 = arith.constant 0 : index
      %swap3A_31 = vector.load %arg5[%swap3A_28, %swap3A_29, %swap3A_30] : memref<1x1x4096xf32, #tpu.memory_space<vmem>>, vector<1x1x4096xf32>
      %swap3A_32 = vector.shape_cast %swap3A_31 : vector<1x1x4096xf32> to vector<4096xf32>
      %swap3A_33 = vector.shape_cast %reduce_max3A_27 : vector<4096xf32> to vector<1x1x4096xf32>
      tpu.vector_store %arg5[%swap3A_28, %swap3A_29, %swap3A_30], %swap3A_33 {strides = array<i32>} : memref<1x1x4096xf32, #tpu.memory_space<vmem>>, vector<1x1x4096xf32>,
    } else {
    }
    return
  }
  func.func @transform_0(%arg0: i32, %arg1: i32) -> (i32, i32, i32) {
    %c0_i32 = arith.constant 0 : i32
    %c0_i32_0 = arith.constant 0 : i32
    %c0_i32_1 = arith.constant 0 : i32
    return %arg0, %c0_i32, %c0_i32_0 : i32, i32, i32
  }
  func.func @transform_1(%arg0: i32, %arg1: i32) -> (i32, i32, i32) {
    %c0_i32 = arith.constant 0 : i32
    %c0_i32_0 = arith.constant 0 : i32
    %c0_i32_1 = arith.constant 0 : i32
    return %arg0, %c0_i32, %c0_i32_0 : i32, i32, i32
  }
  func.func @transform_2(%arg0: i32, %arg1: i32) -> (i32, i32, i32) {
    %c0_i32 = arith.constant 0 : i32
    %c0_i32_0 = arith.constant 0 : i32
    return %arg0, %c0_i32, %arg1 : i32, i32, i32
  }
  func.func @transform_3(%arg0: i32, %arg1: i32) -> (i32, i32, i32) {
    %c0_i32 = arith.constant 0 : i32
    %c0_i32_0 = arith.constant 0 : i32
    %c0_i32_1 = arith.constant 0 : i32
    return %arg0, %c0_i32, %c0_i32_0 : i32, i32, i32
  }
  func.func @transform_4(%arg0: i32, %arg1: i32) -> (i32, i32, i32) {
    %c0_i32 = arith.constant 0 : i32
    %c0_i32_0 = arith.constant 0 : i32
    return %arg0, %arg1, %c0_i32 : i32, i32, i32
  }
}

</mosaic_0001>

<sc_bundles>
// kernel: kernel.4.cloned.1.call-start
scs
__scs_entry_jumppad:
0x0: {  	(pc) =	sbr.rel $0x88, $3  }
0x1: {  	(tag) =	ssettag $0x0;
	lr =	simm.s32 $0x1  }
0x2: {  	[smem:$0x3F9E] =	sst lr;
	_ =	strace $0xD0000000  }
0x3: {  	_ = 	snop  }
0x4: {  	_ = 	snop  }
0x5: {  	_ = 	snop  }
0x6: {  	_ = 	snop  }
0x7: {  	_ = 	snop  }
__scs_overlays_trampoline_lowered:
0x8: {  	[smem:$0x3FAD] =	sst s0  }
0x9: {  	[smem:$0x3FAE] =	sst s1  }
0xa: {  	[smem:$0x3FAF] =	sst s2  }
0xb: {  	[smem:$0x3FB0] =	sst s3  }
0xc: {  	[smem:$0x3FB1] =	sst s4  }
0xd: {  	[smem:$0x3FB2] =	sst s5  }
0xe: {  	[smem:$0x3FB3] =	sst s6  }
0xf: {  	[smem:$0x3FB4] =	sst s7  }
0x10: {  	[smem:$0x3FB5] =	sst s8  }
0x11: {  	[smem:$0x3FB6] =	sst s9;
	s0 =	simm.s32 @!p0 $0x0  }
0x12: {  	s1 =	sld [smem:$0x3F9C];
	s0 =	simm.s32 @p0 $0x1  }
0x13: {  	[smem:$0x3FB7] =	sst s0;
	s0 =	simm.s32 @!p1 $0x0  }
0x14: {  	s2 =	sld [smem:$0x3F9B];
	s0 =	simm.s32 @p1 $0x1  }
0x15: {  	[smem:$0x3FB8] =	sst s0;
	s0 =	simm.s32 @!p2 $0x0  }
0x16: {  	s3 =	sld [smem:$0x3FDB];
	s0 =	simm.s32 @p2 $0x1  }
0x17: {  	s4 =	simm.s32 $0x1BF5;
	[smem:$0x3FBA] =	sst s0  }
0x18: {  	s0 =	sld [smem:$0x3F9D];
	_ =	swait.ge [sflag:s4], $0x0  }
0x19: {  	s7 =	sld [smem:$0x3F9E]  }
0x1a: {  	s8 =	sadd.s32 $0xFFFFE003, lr  }
0x1b: {  	s9 =	sadd.s32 $0xFFFFFEF7, lr;
	s5 =	simm.s32 $0xFFFFFFFF;
	p2 =	slt.u32 s8, $0xFFFFF086  }
0x1c: {  	p1 =	slt.u32 s9, $0xF7A;
	s5 =	simm.s32 @!p2 $0x0  }
0x1d: {  	s5 =	simm.s32 @p1 $0x1;
	p0 =	seq.s32 s7, s2  }
0x1e: {  	s7 =	smul.u32 @!p0 $0xF7A, s2;
	p2 =	seq.s32 @!p0 s5, $0x0  }
0x1f: {  	s9 =	smul.u32 $0xF7A, s1;
	s8 =	simm.s32 @!p0 $0x1BF5;
	p2 =	por !p2, p0  }
0x20: {  	[sflag:s8] =	ssyncset.s32 @!p0 $0xFFFFF086;
	s6 =	sadd.s32 @!p0 s3, s7;
	s7 =	simm.s32 @!p0 $0x108  }
0x21: {  	s3 =	sadd.s32 s3, s9;
	s6 =	sadd.s32 @!p0 $0x88, s6;
	s7 =	simm.s32 @p2 $0x1082  }
0x22: {  	[simem:s7], [sflag:s8] =	dma.local @!p0 [hbm:s6], $0xF7A  }
0x23: {  	s9 =	sor.u32 $0xD0000000, s2;
	s6 =	simm.s32 $0x108;
	_ =	swait.ge @!p0 [sflag:s8], $0x0  }
0x24: {  	s3 =	sadd.s32 $0x88, s3;
	s6 =	simm.s32 @!p1 $0x1082;
	[sflag:s4] =	ssyncset.s32 $0xFFFFF086  }
0x25: {  	[simem:s6], [sflag:s4] =	dma.local [hbm:s3], $0xF7A  }
0x26: {  	[smem:$0x3F9E] =	sst s1;
	(tag) =	ssettag s2;
	_ =	strace s9  }
0x27: {  	s1 =	sld [smem:$0x3FAE]  }
0x28: {  	s2 =	sld [smem:$0x3FAF]  }
0x29: {  	s4 =	sld [smem:$0x3FB1]  }
0x2a: {  	p0 =	seq.s32 s5, $0x0;
	s5 =	sld [smem:$0x3FB2]  }
0x2b: {  	s6 =	sld [smem:$0x3FB3]  }
0x2c: {  	s7 =	sld [smem:$0x3FB4]  }
0x2d: {  	s3 =	simm.s32 $0x108;
	s8 =	sld [smem:$0x3FB5]  }
0x2e: {  	s3 =	simm.s32 @!p0 $0x1082;
	s9 =	sld [smem:$0x3FB6]  }
0x2f: {  	lr =	sadd.s32 s0, s3;
	s0 =	sld [smem:$0x3FAD]  }
0x30: {  	s3 =	sld [smem:$0x3FB0]  }
0x31: {  	[smem:$0x3FB9] =	sst s10  }
0x32: {  	s10 =	sld [smem:$0x3FB7];
	_ =	sdelay $0x3  }
0x33: {  	p0 =	seq.s32 s10, $0x1;
	s10 =	sld [smem:$0x3FB9];
	_ =	sdelay $0x3  }
0x34: {  	[smem:$0x3FB9] =	sst s10  }
0x35: {  	s10 =	sld [smem:$0x3FB8];
	_ =	sdelay $0x3  }
0x36: {  	p1 =	seq.s32 s10, $0x1;
	s10 =	sld [smem:$0x3FB9];
	_ =	sdelay $0x3  }
0x37: {  	[smem:$0x3FB9] =	sst s10  }
0x38: {  	s10 =	sld [smem:$0x3FBA]  }
0x39: {  	_ = 	snop;
	(pc) =	sbr.ind lr, $3  }
0x3a: {  	_ = 	snop  }
0x3b: {  	_ = 	snop  }
0x3c: {  	p2 =	seq.s32 s10, $0x1;
	s10 =	sld [smem:$0x3FB9]  }
0x3d: {  	_ =	shalt  }
0x3e: {  	_ =	shalt  }
0x3f: {  	_ =	shalt  }
0x40: {  	_ =	shalt  }
0x41: {  	_ =	shalt  }
0x42: {  	_ =	shalt  }
0x43: {  	_ =	shalt  }
0x44: {  	_ =	shalt  }
0x45: {  	_ =	shalt  }
0x46: {  	_ =	shalt  }
0x47: {  	_ =	shalt  }
0x48: {  	_ =	shalt  }
0x49: {  	_ =	shalt  }
0x4a: {  	_ =	shalt  }
0x4b: {  	_ =	shalt  }
0x4c: {  	_ =	shalt  }
0x4d: {  	_ =	shalt  }
0x4e: {  	_ =	shalt  }
0x4f: {  	_ =	shalt  }
0x50: {  	_ =	shalt  }
0x51: {  	_ =	shalt  }
0x52: {  	_ =	shalt  }
0x53: {  	_ =	shalt  }
0x54: {  	_ =	shalt  }
0x55: {  	_ =	shalt  }
0x56: {  	_ =	shalt  }
0x57: {  	_ =	shalt  }
0x58: {  	_ =	shalt  }
0x59: {  	_ =	shalt  }
0x5a: {  	_ =	shalt  }
0x5b: {  	_ =	shalt  }
0x5c: {  	_ =	shalt  }
0x5d: {  	_ =	shalt  }
0x5e: {  	_ =	shalt  }
0x5f: {  	_ =	shalt  }
0x60: {  	_ =	shalt  }
0x61: {  	_ =	shalt  }
0x62: {  	_ =	shalt  }
0x63: {  	_ =	shalt  }
0x64: {  	_ =	shalt  }
0x65: {  	_ =	shalt  }
0x66: {  	_ =	shalt  }
0x67: {  	_ =	shalt  }
0x68: {  	_ =	shalt  }
0x69: {  	_ =	shalt  }
0x6a: {  	_ =	shalt  }
0x6b: {  	_ =	shalt  }
0x6c: {  	_ =	shalt  }
0x6d: {  	_ =	shalt  }
0x6e: {  	_ =	shalt  }
0x6f: {  	_ =	shalt  }
0x70: {  	_ =	shalt  }
0x71: {  	_ =	shalt  }
0x72: {  	_ =	shalt  }
0x73: {  	_ =	shalt  }
0x74: {  	_ =	shalt  }
0x75: {  	_ =	shalt  }
0x76: {  	_ =	shalt  }
0x77: {  	_ =	shalt  }
0x78: {  	_ =	shalt  }
0x79: {  	_ =	shalt  }
0x7a: {  	_ =	shalt  }
0x7b: {  	_ =	shalt  }
0x7c: {  	_ =	shalt  }
0x7d: {  	_ =	shalt  }
0x7e: {  	_ =	shalt  }
0x7f: {  	_ =	shalt  }
0x80: {  	_ =	shalt  }
0x81: {  	_ =	shalt  }
0x82: {  	_ =	shalt  }
0x83: {  	_ =	shalt  }
0x84: {  	_ =	shalt  }
0x85: {  	_ =	shalt  }
0x86: {  	_ =	shalt  }
0x87: {  	_ =	shalt  }
.Lfunc_end0:
.L_simem_size_0:
called_computation_lowered:
.L_overlay_start_0:
0x88: {  	s0 =	sld [smem:$0x3FD9]  }
0x89: {  	s1 =	sld [smem:$0x3FFE];
	_ =	sdelay $0x3  }
0x8a: {  	s0 =	sadd.s32 s1, s0  }
0x8b: {  	[smem:$0x3FC5] =	sst s0  }
0x8c: {  	_ = 	snop  }
0x8d: {  	s0 =	sld [smem:$0x3FD0];
	(tm) =	ssettm $0x1  }
0x8e: {  	s16 =	sld [smem:$0x3FFB];
	_ =	sdelay $0x3  }
0x8f: {  	_ =	strace s16  }
0x90: {  	s1 =	sld [smem:$0x3FFC];
	_ =	sdelay $0x3  }
0x91: {  	_ =	strace s1  }
0x92: {  	s1 =	sld [smem:$0x3FFD];
	_ =	sdelay $0x3  }
0x93: {  	_ =	strace s1  }
0x94: {  	_ =	strace $0x8FFFFFFF  }
0x95: {  	s17 =	sld [smem:$0x3FDB];
	_ =	sdelay $0x1  }
0x96: {  	s2 =	simm.s32 $_scs_section_size  }
0x97: {  	s3 =	simm.s32 $_size__tile_overlayer_lowered;
	s4 =	simm.s32 $_tile_overlayer_lowered  }
0x98: {  	s20 =	simm.s32 $0x1BFF;
	s19 =	sshll.u32 s4, $0x1;
	s1 =	sadd.s32 s2, s17  }
0x99: {  	s5 =	simm.s32 $0x0;
	s18 =	sshll.u32 s3, $0x1;
	s3 =	sadd.s32 s19, s1  }
0x9a: {  	[timem:s5], [sflag:s20] =	dma.local [hbm:s3], s18  }
0x9b: {  	_ =	swait.ge [sflag:s20], s18  }
0x9c: {  	s2 =	ssub.s32 $0x0, s18;
	[sflag:s20] =	ssyncset.done $0x0  }
0x9d: {  	[sflag:s20] =	ssyncadd.s32 s2;
	_ =	sdelay $0x1  }
0x9e: {  	s21 =	simm.s32 $0x1B8B  }
0x9f: {  	_ =	swait.ge [sflag:s21], $0x1  }
0xa0: {  	[sflag:s21] =	ssyncset.done $0x0  }
0xa1: {  	s23 =	simm.s32 $0x1B8E;
	s22 =	sld [smem:$0x3FFE];
	[sflag:s21] =	ssyncadd.s32 $0xFFFFFFFF  }
0xa2: {  	s24 =	simm.s32 $execute0_lowered;
	[smem:$0x3FD2] =	sst s23  }
0xa3: {  	s3 =	sshll.u32 s24, $0x1;
	_ =	strace $0x80000046;
	[dreg:$0x1] =	wrdreg $0xFFFFFFFF  }
0xa4: {  	s25 =	simm.s32 $_size_execute0_lowered;
	s1 =	sadd.s32 s1, s3;
	[dreg:$0x0] =	wrdreg $0x0  }
0xa5: {  	s3 =	sshll.u32 s25, $0x1;
	[dreg:$0x2] =	wrdreg s1  }
0xa6: {  	[dreg:$0x3] =	wrdreg s3  }
0xa7: {  	[dreg:$0x4] =	wrdreg $0xC0  }
0xa8: {  	_ =	task [dreg:s5], $0x5FFFF  }
0xa9: {  	[dreg:$0x1] =	wrdreg $0xFFFFFFFF  }
0xaa: {  	[dreg:$0x0] =	wrdreg $0x60  }
0xab: {  	[dreg:$0x2] =	wrdreg s22  }
0xac: {  	[dreg:$0x3] =	wrdreg s0  }
0xad: {  	[dreg:$0x4] =	wrdreg $0x9  }
0xae: {  	_ =	task.clear_ibuf [dreg:s5], $0x5FFFF;
	_ =	strace $0x90000046  }
0xaf: {  	s26 =	simm.s32 $0x9;
	_ =	strace $0x80000048  }
0xb0: {  	_ =	swait.ge [sflag:s26], $0x1  }
0xb1: {  	[sflag:s26] =	ssyncadd.s32 $0xFFFFFFFF  }
0xb2: {  	_ =	strace $0x90000048  }
0xb3: {  	_ =	sfence  }
0xb4: {  	s28 =	sld [smem:$0x0];
	_ =	sdelay $0x1  }
0xb5: {  	s29 =	srdreg.scid  }
0xb6: {  	s30 =	sshll.u32 s29, $0xD;
	s31 =	sshrl.u32 s29, $0x2  }
0xb7: {  	s2 =	sand.u32 $0x4000, s30;
	s1 =	sand.u32 $0x1, s29;
	s0 =	sadd.s32 s31, s28  }
0xb8: {  	s1 =	sor.u32 s2, s1;
	s0 =	sshll.u32 s0, $0x11  }
0xb9: {  	s0 =	sor.u32 s0, s1  }
0xba: {  	s0 =	sadd.s32 $0x8F2B, s0  }
0xbb: {  	[sflag:s0] =	ssyncadd.remote.s32 $0x1  }
0xbc: {  	_ =	sfence.sel $0xFFFF  }
0xbd: {  	[dreg:$0x0] =	wrdreg $0xFFFFFFFF;
	(pc) =	sbr.abs _section_cstart, $3  }
0xbe: {  	[dreg:$0x1] =	wrdreg $0xFFFFFFFF  }
0xbf: {  	_ =	task.clear_ibuf [dreg:s5], $0x2FFFF;
	_ =	strace $0x9FFFFFFF  }
0xc0: {  	(tm) =	ssettm $0x7FFFFFFF  }
0xc1: {  	_ =	shalt  }
tec
execute0_lowered:
.L_overlay_start_1:
0x0: {  	(tag) =	ssettag $0x1  }
0x1: {  	s5 =	rddreg [dreg:$0x0];
	s0 =	stileid.u32  }
0x2: {  	s2 =	rddreg [dreg:$0x1];
	s3 =	sshll.u32 s0, $0x7  }
0x3: {  	s1 =	rddreg [dreg:$0x2];
	s4 =	simm.s32 $0x0;
	s6 =	sand.u32 $0x600, s3  }
0x4: {  	[smem:$0x7FF] =	sst s4;
	s6 =	sadd.s32 s6, s5  }
0x5: {  	_ =	strace $0x80000047;
	s5 =	sadd.s32 s3, s5;
	s6 =	sadd.s32 $0x400, s6  }
0x6: {  	[tilespmem:s4], [sflag:$0x1] =	stream.linear.gather [hbm4b:s6+s4], $0x1000, $0x38;
	[tilespmem:$0x1800] =	vst v63  }
0x7: {  	s29 =	simm.s32 $0x1000;
	s30 =	simm.s32 $0x1;
	s5 =	sadd.s32 $0xC00, s5  }
0x8: {  	[tilespmem:s29], [sflag:$0x2] =	stream.linear.gather [hbm4b:s5+s4], $0x400, $0x38;
	[tilespmem:$0x1800] =	vst v63  }
0x9: {  	_ =	swait.ge [sflag:s30], $0x1000  }
0xa: {  	[sflag:s30] =	ssyncset.done $0x0  }
0xb: {  	s31 =	simm.s32 $0x2;
	[sflag:s30] =	ssyncadd.s32 $0xFFFFF000  }
0xc: {  	_ =	swait.ge [sflag:s31], $0x400  }
0xd: {  	[sflag:s31] =	ssyncset.done $0x0  }
0xe: {  	s5 =	simm.s32 $0x0;
	[sflag:s31] =	ssyncadd.s32 $0xFFFFFC00  }
0xf: {  	v0 =	vld [tilespmem:s5+$0x1000];
	_ =	sdelay $0x7  }
0x10: {  	v0 =	vld.idx.msk [tilespmem:v0+s4+$0x0], $0xffff;
	_ =	sdelay $0x4  }
0x11: {  	v0 =	vsub.f32 $0.0e+00, v0;
	_ =	sdelay $0x1  }
0x12: {  	v0 =	vmul.f32 $1.442695020e+00, v0;
	_ =	sdelay $0x1  }
0x13: {  	(erf) = vpow2.f32 v0;
	_ =	sdelay $0x8  }
0x14: {  	v0 =	vpop (erf)  }
0x15: {  	v0 =	vadd.f32 $1.000000000e+00, v0;
	_ =	sdelay $0x1  }
0x16: {  	(erf) = vrcp.f32 v0;
	_ =	sdelay $0x1  }
0x17: {  	s7 =	simm.s32 $0x10;
	s6 =	simm.s32 $0x80  }
.LBB2_1:
0x18: {  	p0 =	sne.s32 s6, $0xFC0;
	v0 =	vld [tilespmem:s7+$0x1000];
	_ =	sdelay $0x5  }
0x19: {  	v1 =	vpop (erf)  }
0x1a: {  	[tilespmem:s5+$0x1400] =	vst v1;
	s5 =	smov.u32 s7  }
0x1b: {  	v0 =	vld.idx.msk [tilespmem:v0+s4+$0x0], $0xffff;
	_ =	sdelay $0x5  }
0x1c: {  	v0 =	vsub.f32 $0.0e+00, v0;
	_ =	sdelay $0x1  }
0x1d: {  	v0 =	vmul.f32 $1.442695020e+00, v0;
	_ =	sdelay $0x1  }
0x1e: {  	(erf) = vpow2.f32 v0;
	_ =	sdelay $0x8  }
0x1f: {  	v0 =	vpop (erf)  }
.Ltmp0:
0x20: {  	v0 =	vadd.f32 $1.000000000e+00, v0;
	(pc) =	sbr.rel @p0 .LBB2_1-.Ltmp0, $3  }
0x21: {  	_ = 	snop  }
0x22: {  	(erf) = vrcp.f32 v0;
	_ =	sdelay $0x1  }
0x23: {  	s7 =	sshra.s32 s6, $0x2;
	s6 =	sadd.s32 $0x40, s6  }
0x24: {  	v0 =	vld [tilespmem:s7+$0x1000];
	_ =	sdelay $0x5  }
0x25: {  	v1 =	vpop (erf)  }
0x26: {  	[tilespmem:s5+$0x1400] =	vst v1  }
0x27: {  	v0 =	vld.idx.msk [tilespmem:v0+s4+$0x0], $0xffff;
	_ =	sdelay $0x4  }
0x28: {  	v0 =	vsub.f32 $0.0e+00, v0;
	_ =	sdelay $0x1  }
0x29: {  	v0 =	vmul.f32 $1.442695020e+00, v0;
	_ =	sdelay $0x1  }
0x2a: {  	(erf) = vpow2.f32 v0;
	_ =	sdelay $0x8  }
0x2b: {  	v0 =	vpop (erf)  }
0x2c: {  	v0 =	vadd.f32 $1.000000000e+00, v0;
	_ =	sdelay $0x1  }
0x2d: {  	(erf) = vrcp.f32 v0;
	_ =	sdelay $0x8  }
0x2e: {  	s2 =	sadd.s32 s2, s3;
	v0 =	vpop (erf)  }
0x2f: {  	s29 =	simm.s32 $0x0;
	s30 =	simm.s32 $0x1400;
	s31 =	simm.s32 $0x3;
	[tilespmem:s7+$0x1400] =	vst v0  }
0x30: {  	[hbm4b:s2+s29] =	stream.linear.scatter [tilespmem:s30], [sflag:$0x3], $0x400, $0x38;
	[tilespmem:$0x1800] =	vst v63  }
0x31: {  	_ =	swait.ge [sflag:s31], $0x400  }
0x32: {  	[sflag:s31] =	ssyncset.done $0x0  }
0x33: {  	[sflag:s31] =	ssyncadd.s32 $0xFFFFFC00  }
0x34: {  	_ =	sfence.sel $0x180000  }
0x35: {  	[bflag:$0x0] =	sbarrier.arrive $0xFFFF  }
0x36: {  	p0 =	sne.s32 s0, $0x0;
	_ =	strace $0x90000047  }
0x37: {  	s0 =	sadd.s32 @!p0 $0x100000, s1;
	[bflag:$0x2] =	sbarrier.arrive $0xFFFF  }
0x38: {  	[sflag:s0] =	ssyncadd.tile.s32 @!p0 $0x1;
	_ =	shalt  }
.Lfunc_end2:
_tile_overlayer_lowered:
.L_overlay_start_2:
0x39: {  	(tag) =	ssettag $0x2  }
0x3a: {  	s0 =	rddreg [dreg:$0x0];
	s2 =	stileid.u32  }
0x3b: {  	s1 =	rddreg [dreg:$0x1];
	p0 =	sne.s32 s2, $0x0  }
0x3c: {  	s3 =	rddreg [dreg:$0x2];
	[bflag:$0x3] =	sbarrier.arrive $0xFFFF;
	s2 =	simm.s32 @!p0 $0x1C03  }
0x3d: {  	[timem:s3], [sflag:s2] =	dma.local @!p0 [hbm:s0], s1  }
0x3e: {  	s0 =	simm.s32 @!p0 $0x3  }
0x3f: {  	_ =	swait.ge @!p0 [sflag:s0], s1  }
0x40: {  	s1 =	ssub.s32 @!p0 $0x0, s1;
	[sflag:s0] =	ssyncset.done @!p0 $0x0  }
0x41: {  	[sflag:s0] =	ssyncadd.s32 @!p0 s1  }
0x42: {  	[bflag:$0x3] =	sbarrier.arrive $0xFFFF  }
0x43: {  	_ =	shalt  }

</sc_bundles>
